<compile_context>
chip_gen: v7x
topology: tpu7x:2x2x1
jax: 0.10.2.dev20260603
libtpu: 0.0.44.dev20260713+nightly
codegen_flags: <defaults>
</compile_context>

<pallas_src>
import functools

import jax
import jax.numpy as jnp
from jax import lax
from jax.experimental import pallas as pl
from jax.experimental.pallas import tpu as pltpu
from jax.experimental.pallas import tpu_sc as plsc

N = 10000
D = 128
E = 320000

NC = 2
NS = 16
NW = NC * NS

CHUNK = 128
EPAD = 323584
T = EPAD // (NW * CHUNK)
EW = EPAD // NW
NPAD = 10240
RPS = NPAD // NS

_mesh = plsc.VectorSubcoreMesh(core_axis_name="c", subcore_axis_name="s")


@functools.partial(
    pl.kernel,
    out_type=jax.ShapeDtypeStruct((NC, NPAD, D), jnp.float32),
    mesh=_mesh,
    scratch_types=[
        pltpu.VMEM((CHUNK,), jnp.int32),
        pltpu.VMEM((CHUNK, D), jnp.float32),
        pltpu.VMEM_SHARED((NPAD, D), jnp.float32),
    ],
)
def _deg_kernel(dst_hbm, ones_hbm, zeros_hbm, out_hbm, didx_v, ones_v, deg_sh):
    c = lax.axis_index("c")
    s = lax.axis_index("s")
    w = c * NS + s
    r0 = s * RPS
    pltpu.sync_copy(zeros_hbm.at[pl.ds(r0, RPS)], deg_sh.at[pl.ds(r0, RPS)])
    pltpu.sync_copy(ones_hbm, ones_v)
    plsc.subcore_barrier()
    base = w * EW

    def body(t, carry):
        pltpu.sync_copy(dst_hbm.at[pl.ds(base + t * CHUNK, CHUNK)], didx_v)
        pltpu.sync_copy(ones_v, deg_sh.at[didx_v], add=True)
        return carry

    lax.fori_loop(0, T, body, 0)
    plsc.subcore_barrier()
    pltpu.sync_copy(deg_sh.at[pl.ds(r0, RPS)], out_hbm.at[c, pl.ds(r0, RPS)])


def _lin_body(x_ref, w_ref, degp_ref, g_ref, dinv_ref):
    h = jnp.dot(x_ref[...], w_ref[...], preferred_element_type=jnp.float32)
    deg = degp_ref[0, :, :1] + degp_ref[1, :, :1] + 1.0
    dinv = lax.rsqrt(deg)[:N]
    g_ref[...] = dinv * h
    dinv_ref[...] = dinv


def _lin_kernel(x, W, degp):
    return pl.pallas_call(
        _lin_body,
        out_shape=(
            jax.ShapeDtypeStruct((N, D), jnp.float32),
            jax.ShapeDtypeStruct((N, 1), jnp.float32),
        ),
    )(x, W, degp)


@functools.partial(
    pl.kernel,
    out_type=jax.ShapeDtypeStruct((NC, NPAD, D), jnp.float32),
    mesh=_mesh,
    scratch_types=[
        pltpu.VMEM((CHUNK,), jnp.int32),
        pltpu.VMEM((CHUNK,), jnp.int32),
        pltpu.VMEM((CHUNK, D), jnp.float32),
        pltpu.SemaphoreType.DMA,
        pltpu.VMEM_SHARED((NPAD, D), jnp.float32),
    ],
)
def _scatter_kernel(src_hbm, dst_hbm, g_hbm, zeros_hbm, out_hbm,
                    sidx_v, didx_v, rows_v, gsem, acc_sh):
    c = lax.axis_index("c")
    s = lax.axis_index("s")
    w = c * NS + s
    r0 = s * RPS
    pltpu.sync_copy(zeros_hbm.at[pl.ds(r0, RPS)], acc_sh.at[pl.ds(r0, RPS)])
    plsc.subcore_barrier()
    base = w * EW

    def body(t, carry):
        off = base + t * CHUNK
        pltpu.sync_copy(src_hbm.at[pl.ds(off, CHUNK)], sidx_v)
        pltpu.sync_copy(dst_hbm.at[pl.ds(off, CHUNK)], didx_v)
        pltpu.async_copy(g_hbm.at[sidx_v], rows_v, gsem).wait()
        pltpu.sync_copy(rows_v, acc_sh.at[didx_v], add=True)
        return carry

    lax.fori_loop(0, T, body, 0)
    plsc.subcore_barrier()
    pltpu.sync_copy(acc_sh.at[pl.ds(r0, RPS)], out_hbm.at[c, pl.ds(r0, RPS)])


def _bn_body(accp_ref, g_ref, dinv_ref, gamma_ref, beta_ref, y_ref):
    acc = accp_ref[0, :N] + accp_ref[1, :N]
    pre = dinv_ref[...] * (acc + g_ref[...])
    mean = jnp.mean(pre, axis=0, keepdims=True)
    var = jnp.mean((pre - mean) ** 2, axis=0, keepdims=True)
    y = (pre - mean) * lax.rsqrt(var + 1e-5) * gamma_ref[...] + beta_ref[...]
    y_ref[...] = jnp.maximum(y, 0.0)


def _bn_kernel(accp, g, dinv, gamma2d, beta2d):
    return pl.pallas_call(
        _bn_body,
        out_shape=jax.ShapeDtypeStruct((N, D), jnp.float32),
    )(accp, g, dinv, gamma2d, beta2d)


def kernel(x, edge_index, W, gamma, beta):
    src = edge_index[0].astype(jnp.int32)
    dst = edge_index[1].astype(jnp.int32)
    pad = EPAD - E
    src_p = jnp.concatenate([src, jnp.zeros((pad,), jnp.int32)])
    pad_dst = N + (jnp.arange(pad, dtype=jnp.int32) % (NPAD - N))
    dst_p = jnp.concatenate([dst, pad_dst])
    zeros2d = jnp.zeros((NPAD, D), jnp.float32)
    degp = _deg_kernel(dst_p, jnp.ones((CHUNK, D), jnp.float32), zeros2d)
    g, dinv = _lin_kernel(x, W, degp)
    accp = _scatter_kernel(src_p, dst_p, g, zeros2d)
    return _bn_kernel(accp, g, dinv, gamma.reshape(1, D), beta.reshape(1, D))

# --- scband reference (transcript-rebuilt; emitter-appended) ---
"""Pipeline reference for scband-gcnblock-11338713662112 (READ-ONLY COPY).

The authoritative reference and input builder live on the scoring server;
editing this copy changes nothing except your own understanding.
"""

import jax, jax.numpy as jnp
import numpy as np

N_NODES = 10000
N_EDGES = 320000
D_IN = 128
D_OUT = 128


def setup_inputs(seed: int = 0) -> dict:
    key = jax.random.key(seed)
    k1, k2, k3 = jax.random.split(key, 3)
    x = jax.random.normal(k1, (N_NODES, D_IN), dtype=jnp.float32)
    edge_index = jax.random.randint(k2, (2, N_EDGES), 0, N_NODES, dtype=jnp.int64)
    # GCNConv linear weight (bias=False): stored as [out, in] in torch; use [in, out] for x @ W
    W = jax.random.normal(k3, (D_IN, D_OUT), dtype=jnp.float32) * (1.0 / np.sqrt(D_IN))
    # BatchNorm1d affine params (default init)
    gamma = jnp.ones((D_OUT,), dtype=jnp.float32)
    beta = jnp.zeros((D_OUT,), dtype=jnp.float32)
    return {"x": x, "edge_index": edge_index, "W": W, "gamma": gamma, "beta": beta}


def reference(x, edge_index, W, gamma, beta):
    N = x.shape[0]
    src = edge_index[0]
    dst = edge_index[1]
    # GCNConv: add self-loops with weight 1.0 (improved=False; would be 2.0 if improved)
    loop = jnp.arange(N, dtype=edge_index.dtype)
    src_full = jnp.concatenate([src, loop])
    dst_full = jnp.concatenate([dst, loop])
    ew = jnp.ones((src_full.shape[0],), dtype=x.dtype)
    # symmetric normalization: D^{-1/2} A_hat D^{-1/2}, degree computed on target nodes
    deg = jnp.zeros((N,), dtype=x.dtype).at[dst_full].add(ew)
    deg_inv_sqrt = jnp.where(deg > 0, jax.lax.rsqrt(jnp.maximum(deg, 1e-12)), 0.0)
    norm = deg_inv_sqrt[src_full] * ew * deg_inv_sqrt[dst_full]
    # linear transform then propagate (gather from src, scatter-add to dst)
    h = x @ W
    msg = jnp.take(h, src_full, axis=0) * norm[:, None]
    out = jnp.zeros((N, h.shape[1]), dtype=x.dtype).at[dst_full].add(msg)
    # BatchNorm1d in training mode: batch statistics, biased variance, eps=1e-5
    mean = jnp.mean(out, axis=0)
    var = jnp.mean((out - mean) ** 2, axis=0)
    y = (out - mean) * jax.lax.rsqrt(var + 1e-5) * gamma + beta
    return jax.nn.relu(y)

if __name__ == "__main__":
    import jax
    _d = setup_inputs()
    print(jax.jit(kernel)(*tuple(_d.values())))

</pallas_src>

<mosaic_0001>
#map = affine_map<(d0, d1) -> (0)>
#map1 = affine_map<(d0, d1) -> (0, 0)>
#map2 = affine_map<(d0, d1) -> (0, 0, 0)>
module attributes {stable_mosaic.version = 14 : i64} {
  func.func @_deg_kernel(%arg0: i32, %arg1: i32, %arg2: memref<323584xi32, #tpu.memory_space<hbm>>, %arg3: memref<128x128xf32, #tpu.memory_space<hbm>>, %arg4: memref<10240x128xf32, #tpu.memory_space<hbm>>, %arg5: memref<2x10240x128xf32, #tpu.memory_space<hbm>>, %arg6: memref<128xi32, #tpu.memory_space<vmem>>, %arg7: memref<128x128xf32, #tpu.memory_space<vmem>>, %arg8: memref<10240x128xf32, #tpu.memory_space<vmem_shared>>) attributes {dimension_semantics = [#tpu.dimension_semantics<core_parallel>, #tpu.dimension_semantics<subcore_parallel>], iteration_bounds = array<i64: 2, 16>, scalar_prefetch = 0 : i64, scratch_operands = 3 : i64, tpu.core_type = #tpu.core_type<sc_vector_subcore>, window_params = [{transform_indices = #map}, {transform_indices = #map1}, {transform_indices = #map1}, {transform_indices = #map2}]} {
    %mul3A = arith.constant 16 : i32
    %mul3A_0 = arith.muli %arg0, %mul3A : i32
    %add3A = arith.addi %mul3A_0, %arg1 : i32
    %mul3A_1 = arith.constant 640 : i32
    %mul3A_2 = arith.muli %arg1, %mul3A_1 : i32
    "tpu.region"() ({
      %run_scoped3A = tpu.sem_alloc : memref<!tpu.dma_semaphore, #tpu.memory_space<semaphore_mem>>
      %dma_start3A = arith.constant 0 : i32
      %dma_start3A_11 = tpu.memref_slice %arg8[%mul3A_2, %dma_start3A] : memref<10240x128xf32, #tpu.memory_space<vmem_shared>> -> memref<640x128xf32, #tpu.memory_space<vmem_shared>>
      %dma_start3A_12 = arith.constant 0 : i32
      %dma_start3A_13 = tpu.memref_slice %arg4[%mul3A_2, %dma_start3A_12] : memref<10240x128xf32, #tpu.memory_space<hbm>> -> memref<640x128xf32, #tpu.memory_space<hbm>>
      tpu.enqueue_dma source(%dma_start3A_13 : memref<640x128xf32, #tpu.memory_space<hbm>>) target(%dma_start3A_11 : memref<640x128xf32, #tpu.memory_space<vmem_shared>>) target_semaphore(%run_scoped3A : memref<!tpu.dma_semaphore, #tpu.memory_space<semaphore_mem>>)
      %dma_wait3A = arith.constant 0 : i32
      %dma_wait3A_14 = tpu.memref_slice %arg8[%mul3A_2, %dma_wait3A] : memref<10240x128xf32, #tpu.memory_space<vmem_shared>> -> memref<640x128xf32, #tpu.memory_space<vmem_shared>>
      %dma_wait3A_15 = arith.constant 0 : i32
      %dma_wait3A_16 = tpu.memref_slice %arg4[%mul3A_2, %dma_wait3A_15] : memref<10240x128xf32, #tpu.memory_space<hbm>> -> memref<640x128xf32, #tpu.memory_space<hbm>>
      tpu.wait_dma2 semaphore(%run_scoped3A : memref<!tpu.dma_semaphore, #tpu.memory_space<semaphore_mem>>) src(%dma_wait3A_16 : memref<640x128xf32, #tpu.memory_space<hbm>>) dst(%dma_wait3A_14 : memref<640x128xf32, #tpu.memory_space<vmem_shared>>)
      tpu.yield
    }) : () -> ()
    "tpu.region"() ({
      %run_scoped3A = tpu.sem_alloc : memref<!tpu.dma_semaphore, #tpu.memory_space<semaphore_mem>>
      tpu.enqueue_dma source(%arg3 : memref<128x128xf32, #tpu.memory_space<hbm>>) target(%arg7 : memref<128x128xf32, #tpu.memory_space<vmem>>) target_semaphore(%run_scoped3A : memref<!tpu.dma_semaphore, #tpu.memory_space<semaphore_mem>>)
      tpu.wait_dma2 semaphore(%run_scoped3A : memref<!tpu.dma_semaphore, #tpu.memory_space<semaphore_mem>>) src(%arg3 : memref<128x128xf32, #tpu.memory_space<hbm>>) dst(%arg7 : memref<128x128xf32, #tpu.memory_space<vmem>>)
      tpu.yield
    }) : () -> ()
    %barrier3A = arith.constant 0 : index
    tpu.barrier barrier_id(%barrier3A)
    %mul3A_3 = arith.constant 10112 : i32
    %mul3A_4 = arith.muli %add3A, %mul3A_3 : i32
    %scan3A = arith.constant 0 : i32
    %scan3A_5 = arith.constant 0 : i32
    %scan3A_6 = arith.constant 79 : i32
    %scan3A_7 = arith.addi %scan3A_5, %scan3A_6 : i32
    %scan3A_8 = arith.constant 1 : i32
    scf.for %scan3A_11 = %scan3A_5 to %scan3A_7 step %scan3A_8  : i32 {
      %mul3A_12 = arith.constant 128 : i32
      %mul3A_13 = arith.muli %scan3A_11, %mul3A_12 : i32
      %add3A_14 = arith.addi %mul3A_4, %mul3A_13 : i32
      "tpu.region"() ({
        %run_scoped3A = tpu.sem_alloc : memref<!tpu.dma_semaphore, #tpu.memory_space<semaphore_mem>>
        %dma_start3A = tpu.memref_slice %arg2[%add3A_14] : memref<323584xi32, #tpu.memory_space<hbm>> -> memref<128xi32, #tpu.memory_space<hbm>>
        %dma_start3A_15 = tpu.memref_slice %arg2[%add3A_14] : memref<323584xi32, #tpu.memory_space<hbm>> -> memref<128xi32, #tpu.memory_space<hbm>>
        tpu.enqueue_dma source(%dma_start3A_15 : memref<128xi32, #tpu.memory_space<hbm>>) target(%arg6 : memref<128xi32, #tpu.memory_space<vmem>>) target_semaphore(%run_scoped3A : memref<!tpu.dma_semaphore, #tpu.memory_space<semaphore_mem>>)
        %dma_wait3A = tpu.memref_slice %arg2[%add3A_14] : memref<323584xi32, #tpu.memory_space<hbm>> -> memref<128xi32, #tpu.memory_space<hbm>>
        %dma_wait3A_16 = tpu.memref_slice %arg2[%add3A_14] : memref<323584xi32, #tpu.memory_space<hbm>> -> memref<128xi32, #tpu.memory_space<hbm>>
        tpu.wait_dma2 semaphore(%run_scoped3A : memref<!tpu.dma_semaphore, #tpu.memory_space<semaphore_mem>>) src(%dma_wait3A_16 : memref<128xi32, #tpu.memory_space<hbm>>) dst(%arg6 : memref<128xi32, #tpu.memory_space<vmem>>)
        tpu.yield
      }) : () -> ()
      "tpu.region"() ({
        %run_scoped3A = tpu.sem_alloc : memref<!tpu.dma_semaphore, #tpu.memory_space<semaphore_mem>>
        %dma_start3A = arith.constant 0 : i32
        %dma_start3A_15 = arith.constant 0 : i32
        %dma_start3A_16 = tpu.memref_slice %arg8[%dma_start3A, %dma_start3A_15] : memref<10240x128xf32, #tpu.memory_space<vmem_shared>> -> memref<10240x128xf32, #tpu.memory_space<vmem_shared>>
        tpu.enqueue_indirect_dma source(%arg7 : memref<128x128xf32, #tpu.memory_space<vmem>>) target(%dma_start3A_16 : memref<10240x128xf32, #tpu.memory_space<vmem_shared>>) offsets(%arg6 : memref<128xi32, #tpu.memory_space<vmem>>) semaphore(%run_scoped3A : memref<!tpu.dma_semaphore, #tpu.memory_space<semaphore_mem>>) {add = true}
        %dma_wait3A = arith.constant 0 : i32
        %dma_wait3A_17 = arith.constant 0 : i32
        %dma_wait3A_18 = tpu.memref_slice %arg8[%dma_wait3A, %dma_wait3A_17] : memref<10240x128xf32, #tpu.memory_space<vmem_shared>> -> memref<10240x128xf32, #tpu.memory_space<vmem_shared>>
        tpu.wait_indirect_dma semaphore(%run_scoped3A : memref<!tpu.dma_semaphore, #tpu.memory_space<semaphore_mem>>) src(%arg7 : memref<128x128xf32, #tpu.memory_space<vmem>>) dst(%dma_wait3A_18 : memref<10240x128xf32, #tpu.memory_space<vmem_shared>>)
        tpu.yield
      }) : () -> ()
    }
    %scan3A_9 = arith.constant 79 : i32
    %barrier3A_10 = arith.constant 0 : index
    tpu.barrier barrier_id(%barrier3A_10)
    "tpu.region"() ({
      %run_scoped3A = tpu.sem_alloc : memref<!tpu.dma_semaphore, #tpu.memory_space<semaphore_mem>>
      %dma_start3A = arith.constant 0 : i32
      %dma_start3A_11 = tpu.memref_slice %arg5[%arg0, %mul3A_2, %dma_start3A] : memref<2x10240x128xf32, #tpu.memory_space<hbm>> -> memref<1x640x128xf32, #tpu.memory_space<hbm>>
      %dma_start3A_12 = tpu.memref_squeeze %dma_start3A_11 : memref<1x640x128xf32, #tpu.memory_space<hbm>> -> memref<640x128xf32, #tpu.memory_space<hbm>>
      %dma_start3A_13 = arith.constant 0 : i32
      %dma_start3A_14 = tpu.memref_slice %arg8[%mul3A_2, %dma_start3A_13] : memref<10240x128xf32, #tpu.memory_space<vmem_shared>> -> memref<640x128xf32, #tpu.memory_space<vmem_shared>>
      tpu.enqueue_dma source(%dma_start3A_14 : memref<640x128xf32, #tpu.memory_space<vmem_shared>>) target(%dma_start3A_12 : memref<640x128xf32, #tpu.memory_space<hbm>>) target_semaphore(%run_scoped3A : memref<!tpu.dma_semaphore, #tpu.memory_space<semaphore_mem>>)
      %dma_wait3A = arith.constant 0 : i32
      %dma_wait3A_15 = tpu.memref_slice %arg5[%arg0, %mul3A_2, %dma_wait3A] : memref<2x10240x128xf32, #tpu.memory_space<hbm>> -> memref<1x640x128xf32, #tpu.memory_space<hbm>>
      %dma_wait3A_16 = tpu.memref_squeeze %dma_wait3A_15 : memref<1x640x128xf32, #tpu.memory_space<hbm>> -> memref<640x128xf32, #tpu.memory_space<hbm>>
      %dma_wait3A_17 = arith.constant 0 : i32
      %dma_wait3A_18 = tpu.memref_slice %arg8[%mul3A_2, %dma_wait3A_17] : memref<10240x128xf32, #tpu.memory_space<vmem_shared>> -> memref<640x128xf32, #tpu.memory_space<vmem_shared>>
      tpu.wait_dma2 semaphore(%run_scoped3A : memref<!tpu.dma_semaphore, #tpu.memory_space<semaphore_mem>>) src(%dma_wait3A_18 : memref<640x128xf32, #tpu.memory_space<vmem_shared>>) dst(%dma_wait3A_16 : memref<640x128xf32, #tpu.memory_space<hbm>>)
      tpu.yield
    }) : () -> ()
    return
  }
}

#map = affine_map<(d0, d1) -> (0)>
#map1 = affine_map<(d0, d1) -> (0, 0)>
#map2 = affine_map<(d0, d1) -> (0, 0, 0)>
module attributes {stable_mosaic.version = 14 : i64} {
  func.func @_scatter_kernel(%arg0: i32, %arg1: i32, %arg2: memref<323584xi32, #tpu.memory_space<hbm>>, %arg3: memref<323584xi32, #tpu.memory_space<hbm>>, %arg4: memref<10000x128xf32, #tpu.memory_space<hbm>>, %arg5: memref<10240x128xf32, #tpu.memory_space<hbm>>, %arg6: memref<2x10240x128xf32, #tpu.memory_space<hbm>>, %arg7: memref<128xi32, #tpu.memory_space<vmem>>, %arg8: memref<128xi32, #tpu.memory_space<vmem>>, %arg9: memref<128x128xf32, #tpu.memory_space<vmem>>, %arg10: memref<!tpu.dma_semaphore, #tpu.memory_space<semaphore_mem>>, %arg11: memref<10240x128xf32, #tpu.memory_space<vmem_shared>>) attributes {dimension_semantics = [#tpu.dimension_semantics<core_parallel>, #tpu.dimension_semantics<subcore_parallel>], iteration_bounds = array<i64: 2, 16>, scalar_prefetch = 0 : i64, scratch_operands = 5 : i64, tpu.core_type = #tpu.core_type<sc_vector_subcore>, window_params = [{transform_indices = #map}, {transform_indices = #map}, {transform_indices = #map1}, {transform_indices = #map1}, {transform_indices = #map2}]} {
    %mul3A = arith.constant 16 : i32
    %mul3A_0 = arith.muli %arg0, %mul3A : i32
    %add3A = arith.addi %mul3A_0, %arg1 : i32
    %mul3A_1 = arith.constant 640 : i32
    %mul3A_2 = arith.muli %arg1, %mul3A_1 : i32
    "tpu.region"() ({
      %run_scoped3A = tpu.sem_alloc : memref<!tpu.dma_semaphore, #tpu.memory_space<semaphore_mem>>
      %dma_start3A = arith.constant 0 : i32
      %dma_start3A_11 = tpu.memref_slice %arg11[%mul3A_2, %dma_start3A] : memref<10240x128xf32, #tpu.memory_space<vmem_shared>> -> memref<640x128xf32, #tpu.memory_space<vmem_shared>>
      %dma_start3A_12 = arith.constant 0 : i32
      %dma_start3A_13 = tpu.memref_slice %arg5[%mul3A_2, %dma_start3A_12] : memref<10240x128xf32, #tpu.memory_space<hbm>> -> memref<640x128xf32, #tpu.memory_space<hbm>>
      tpu.enqueue_dma source(%dma_start3A_13 : memref<640x128xf32, #tpu.memory_space<hbm>>) target(%dma_start3A_11 : memref<640x128xf32, #tpu.memory_space<vmem_shared>>) target_semaphore(%run_scoped3A : memref<!tpu.dma_semaphore, #tpu.memory_space<semaphore_mem>>)
      %dma_wait3A = arith.constant 0 : i32
      %dma_wait3A_14 = tpu.memref_slice %arg11[%mul3A_2, %dma_wait3A] : memref<10240x128xf32, #tpu.memory_space<vmem_shared>> -> memref<640x128xf32, #tpu.memory_space<vmem_shared>>
      %dma_wait3A_15 = arith.constant 0 : i32
      %dma_wait3A_16 = tpu.memref_slice %arg5[%mul3A_2, %dma_wait3A_15] : memref<10240x128xf32, #tpu.memory_space<hbm>> -> memref<640x128xf32, #tpu.memory_space<hbm>>
      tpu.wait_dma2 semaphore(%run_scoped3A : memref<!tpu.dma_semaphore, #tpu.memory_space<semaphore_mem>>) src(%dma_wait3A_16 : memref<640x128xf32, #tpu.memory_space<hbm>>) dst(%dma_wait3A_14 : memref<640x128xf32, #tpu.memory_space<vmem_shared>>)
      tpu.yield
    }) : () -> ()
    %barrier3A = arith.constant 0 : index
    tpu.barrier barrier_id(%barrier3A)
    %mul3A_3 = arith.constant 10112 : i32
    %mul3A_4 = arith.muli %add3A, %mul3A_3 : i32
    %scan3A = arith.constant 0 : i32
    %scan3A_5 = arith.constant 0 : i32
    %scan3A_6 = arith.constant 79 : i32
    %scan3A_7 = arith.addi %scan3A_5, %scan3A_6 : i32
    %scan3A_8 = arith.constant 1 : i32
    scf.for %scan3A_11 = %scan3A_5 to %scan3A_7 step %scan3A_8  : i32 {
      %mul3A_12 = arith.constant 128 : i32
      %mul3A_13 = arith.muli %scan3A_11, %mul3A_12 : i32
      %add3A_14 = arith.addi %mul3A_4, %mul3A_13 : i32
      "tpu.region"() ({
        %run_scoped3A = tpu.sem_alloc : memref<!tpu.dma_semaphore, #tpu.memory_space<semaphore_mem>>
        %dma_start3A_19 = tpu.memref_slice %arg2[%add3A_14] : memref<323584xi32, #tpu.memory_space<hbm>> -> memref<128xi32, #tpu.memory_space<hbm>>
        %dma_start3A_20 = tpu.memref_slice %arg2[%add3A_14] : memref<323584xi32, #tpu.memory_space<hbm>> -> memref<128xi32, #tpu.memory_space<hbm>>
        tpu.enqueue_dma source(%dma_start3A_20 : memref<128xi32, #tpu.memory_space<hbm>>) target(%arg7 : memref<128xi32, #tpu.memory_space<vmem>>) target_semaphore(%run_scoped3A : memref<!tpu.dma_semaphore, #tpu.memory_space<semaphore_mem>>)
        %dma_wait3A_21 = tpu.memref_slice %arg2[%add3A_14] : memref<323584xi32, #tpu.memory_space<hbm>> -> memref<128xi32, #tpu.memory_space<hbm>>
        %dma_wait3A_22 = tpu.memref_slice %arg2[%add3A_14] : memref<323584xi32, #tpu.memory_space<hbm>> -> memref<128xi32, #tpu.memory_space<hbm>>
        tpu.wait_dma2 semaphore(%run_scoped3A : memref<!tpu.dma_semaphore, #tpu.memory_space<semaphore_mem>>) src(%dma_wait3A_22 : memref<128xi32, #tpu.memory_space<hbm>>) dst(%arg7 : memref<128xi32, #tpu.memory_space<vmem>>)
        tpu.yield
      }) : () -> ()
      "tpu.region"() ({
        %run_scoped3A = tpu.sem_alloc : memref<!tpu.dma_semaphore, #tpu.memory_space<semaphore_mem>>
        %dma_start3A_19 = tpu.memref_slice %arg3[%add3A_14] : memref<323584xi32, #tpu.memory_space<hbm>> -> memref<128xi32, #tpu.memory_space<hbm>>
        %dma_start3A_20 = tpu.memref_slice %arg3[%add3A_14] : memref<323584xi32, #tpu.memory_space<hbm>> -> memref<128xi32, #tpu.memory_space<hbm>>
        tpu.enqueue_dma source(%dma_start3A_20 : memref<128xi32, #tpu.memory_space<hbm>>) target(%arg8 : memref<128xi32, #tpu.memory_space<vmem>>) target_semaphore(%run_scoped3A : memref<!tpu.dma_semaphore, #tpu.memory_space<semaphore_mem>>)
        %dma_wait3A_21 = tpu.memref_slice %arg3[%add3A_14] : memref<323584xi32, #tpu.memory_space<hbm>> -> memref<128xi32, #tpu.memory_space<hbm>>
        %dma_wait3A_22 = tpu.memref_slice %arg3[%add3A_14] : memref<323584xi32, #tpu.memory_space<hbm>> -> memref<128xi32, #tpu.memory_space<hbm>>
        tpu.wait_dma2 semaphore(%run_scoped3A : memref<!tpu.dma_semaphore, #tpu.memory_space<semaphore_mem>>) src(%dma_wait3A_22 : memref<128xi32, #tpu.memory_space<hbm>>) dst(%arg8 : memref<128xi32, #tpu.memory_space<vmem>>)
        tpu.yield
      }) : () -> ()
      %dma_start3A = arith.constant 0 : i32
      %dma_start3A_15 = arith.constant 0 : i32
      %dma_start3A_16 = tpu.memref_slice %arg4[%dma_start3A, %dma_start3A_15] : memref<10000x128xf32, #tpu.memory_space<hbm>> -> memref<10000x128xf32, #tpu.memory_space<hbm>>
      tpu.enqueue_indirect_dma source(%dma_start3A_16 : memref<10000x128xf32, #tpu.memory_space<hbm>>) target(%arg9 : memref<128x128xf32, #tpu.memory_space<vmem>>) offsets(%arg7 : memref<128xi32, #tpu.memory_space<vmem>>) semaphore(%arg10 : memref<!tpu.dma_semaphore, #tpu.memory_space<semaphore_mem>>)
      %dma_wait3A = arith.constant 0 : i32
      %dma_wait3A_17 = arith.constant 0 : i32
      %dma_wait3A_18 = tpu.memref_slice %arg4[%dma_wait3A, %dma_wait3A_17] : memref<10000x128xf32, #tpu.memory_space<hbm>> -> memref<10000x128xf32, #tpu.memory_space<hbm>>
      tpu.wait_indirect_dma semaphore(%arg10 : memref<!tpu.dma_semaphore, #tpu.memory_space<semaphore_mem>>) src(%dma_wait3A_18 : memref<10000x128xf32, #tpu.memory_space<hbm>>) dst(%arg9 : memref<128x128xf32, #tpu.memory_space<vmem>>)
      "tpu.region"() ({
        %run_scoped3A = tpu.sem_alloc : memref<!tpu.dma_semaphore, #tpu.memory_space<semaphore_mem>>
        %dma_start3A_19 = arith.constant 0 : i32
        %dma_start3A_20 = arith.constant 0 : i32
        %dma_start3A_21 = tpu.memref_slice %arg11[%dma_start3A_19, %dma_start3A_20] : memref<10240x128xf32, #tpu.memory_space<vmem_shared>> -> memref<10240x128xf32, #tpu.memory_space<vmem_shared>>
        tpu.enqueue_indirect_dma source(%arg9 : memref<128x128xf32, #tpu.memory_space<vmem>>) target(%dma_start3A_21 : memref<10240x128xf32, #tpu.memory_space<vmem_shared>>) offsets(%arg8 : memref<128xi32, #tpu.memory_space<vmem>>) semaphore(%run_scoped3A : memref<!tpu.dma_semaphore, #tpu.memory_space<semaphore_mem>>) {add = true}
        %dma_wait3A_22 = arith.constant 0 : i32
        %dma_wait3A_23 = arith.constant 0 : i32
        %dma_wait3A_24 = tpu.memref_slice %arg11[%dma_wait3A_22, %dma_wait3A_23] : memref<10240x128xf32, #tpu.memory_space<vmem_shared>> -> memref<10240x128xf32, #tpu.memory_space<vmem_shared>>
        tpu.wait_indirect_dma semaphore(%run_scoped3A : memref<!tpu.dma_semaphore, #tpu.memory_space<semaphore_mem>>) src(%arg9 : memref<128x128xf32, #tpu.memory_space<vmem>>) dst(%dma_wait3A_24 : memref<10240x128xf32, #tpu.memory_space<vmem_shared>>)
        tpu.yield
      }) : () -> ()
    }
    %scan3A_9 = arith.constant 79 : i32
    %barrier3A_10 = arith.constant 0 : index
    tpu.barrier barrier_id(%barrier3A_10)
    "tpu.region"() ({
      %run_scoped3A = tpu.sem_alloc : memref<!tpu.dma_semaphore, #tpu.memory_space<semaphore_mem>>
      %dma_start3A = arith.constant 0 : i32
      %dma_start3A_11 = tpu.memref_slice %arg6[%arg0, %mul3A_2, %dma_start3A] : memref<2x10240x128xf32, #tpu.memory_space<hbm>> -> memref<1x640x128xf32, #tpu.memory_space<hbm>>
      %dma_start3A_12 = tpu.memref_squeeze %dma_start3A_11 : memref<1x640x128xf32, #tpu.memory_space<hbm>> -> memref<640x128xf32, #tpu.memory_space<hbm>>
      %dma_start3A_13 = arith.constant 0 : i32
      %dma_start3A_14 = tpu.memref_slice %arg11[%mul3A_2, %dma_start3A_13] : memref<10240x128xf32, #tpu.memory_space<vmem_shared>> -> memref<640x128xf32, #tpu.memory_space<vmem_shared>>
      tpu.enqueue_dma source(%dma_start3A_14 : memref<640x128xf32, #tpu.memory_space<vmem_shared>>) target(%dma_start3A_12 : memref<640x128xf32, #tpu.memory_space<hbm>>) target_semaphore(%run_scoped3A : memref<!tpu.dma_semaphore, #tpu.memory_space<semaphore_mem>>)
      %dma_wait3A = arith.constant 0 : i32
      %dma_wait3A_15 = tpu.memref_slice %arg6[%arg0, %mul3A_2, %dma_wait3A] : memref<2x10240x128xf32, #tpu.memory_space<hbm>> -> memref<1x640x128xf32, #tpu.memory_space<hbm>>
      %dma_wait3A_16 = tpu.memref_squeeze %dma_wait3A_15 : memref<1x640x128xf32, #tpu.memory_space<hbm>> -> memref<640x128xf32, #tpu.memory_space<hbm>>
      %dma_wait3A_17 = arith.constant 0 : i32
      %dma_wait3A_18 = tpu.memref_slice %arg11[%mul3A_2, %dma_wait3A_17] : memref<10240x128xf32, #tpu.memory_space<vmem_shared>> -> memref<640x128xf32, #tpu.memory_space<vmem_shared>>
      tpu.wait_dma2 semaphore(%run_scoped3A : memref<!tpu.dma_semaphore, #tpu.memory_space<semaphore_mem>>) src(%dma_wait3A_18 : memref<640x128xf32, #tpu.memory_space<vmem_shared>>) dst(%dma_wait3A_16 : memref<640x128xf32, #tpu.memory_space<hbm>>)
      tpu.yield
    }) : () -> ()
    return
  }
}

module attributes {stable_mosaic.version = 14 : i64} {
  func.func @_lin_body(%arg0: memref<10000x128xf32, #tpu.memory_space<vmem>>, %arg1: memref<128x128xf32, #tpu.memory_space<vmem>>, %arg2: memref<2x10240x128xf32, #tpu.memory_space<vmem>>, %arg3: memref<10000x128xf32, #tpu.memory_space<vmem>>, %arg4: memref<10000x1xf32, #tpu.memory_space<vmem>>) attributes {dimension_semantics = [], scalar_prefetch = 0 : i64, scratch_operands = 0 : i64, tpu.core_type = #tpu.core_type<tc>} {
    %get3A = arith.constant 0 : index
    %get3A_0 = arith.constant 0 : index
    %get3A_1 = vector.load %arg0[%get3A, %get3A_0] : memref<10000x128xf32, #tpu.memory_space<vmem>>, vector<10000x128xf32>
    %get3A_2 = arith.constant 0 : index
    %get3A_3 = arith.constant 0 : index
    %get3A_4 = vector.load %arg1[%get3A_2, %get3A_3] : memref<128x128xf32, #tpu.memory_space<vmem>>, vector<128x128xf32>
    %dot_general3A = arith.constant dense<0.000000e+00> : vector<10000x128xf32>
    %dot_general3A_5 = tpu.matmul %get3A_1, %get3A_4, %dot_general3A {dimension_numbers = #tpu.dot_dimension_numbers<[1], [0], [0], [1], [0, 0, 1, 1], [], []>, transpose_lhs_hint = false} : vector<10000x128xf32>, vector<128x128xf32>, vector<10000x128xf32> -> vector<10000x128xf32>
    %get3A_6 = arith.constant 0 : index
    %get3A_7 = arith.constant 0 : index
    %get3A_8 = arith.constant 0 : index
    %get3A_9 = vector.load %arg2[%get3A_6, %get3A_7, %get3A_8] : memref<2x10240x128xf32, #tpu.memory_space<vmem>>, vector<1x10240x1xf32>
    %get3A_10 = vector.shape_cast %get3A_9 : vector<1x10240x1xf32> to vector<10240x1xf32>
    %get3A_11 = arith.constant 1 : index
    %get3A_12 = arith.constant 0 : index
    %get3A_13 = arith.constant 0 : index
    %get3A_14 = vector.load %arg2[%get3A_11, %get3A_12, %get3A_13] : memref<2x10240x128xf32, #tpu.memory_space<vmem>>, vector<1x10240x1xf32>
    %get3A_15 = vector.shape_cast %get3A_14 : vector<1x10240x1xf32> to vector<10240x1xf32>
    %add3A = arith.addf %get3A_10, %get3A_15 : vector<10240x1xf32>
    %add3A_16 = arith.constant 1.000000e+00 : f32
    %add3A_17 = vector.broadcast %add3A_16 : f32 to vector<10240x1xf32>
    %add3A_18 = arith.addf %add3A, %add3A_17 : vector<10240x1xf32>
    %rsqrt3A = math.rsqrt %add3A_18 : vector<10240x1xf32>
    %slice3A = vector.extract_strided_slice %rsqrt3A {offsets = [0, 0], sizes = [10000, 1], strides = [1, 1]} : vector<10240x1xf32> to vector<10000x1xf32>
    %mul3A = vector.broadcast %slice3A : vector<10000x1xf32> to vector<10000x128xf32>
    %mul3A_19 = arith.mulf %mul3A, %dot_general3A_5 : vector<10000x128xf32>
    %swap3A = arith.constant 0 : index
    %swap3A_20 = arith.constant 0 : index
    %swap3A_21 = vector.load %arg3[%swap3A, %swap3A_20] : memref<10000x128xf32, #tpu.memory_space<vmem>>, vector<10000x128xf32>
    tpu.vector_store %arg3[%swap3A, %swap3A_20], %mul3A_19 {strides = array<i32>} : memref<10000x128xf32, #tpu.memory_space<vmem>>, vector<10000x128xf32>,
    %swap3A_22 = arith.constant 0 : index
    %swap3A_23 = arith.constant 0 : index
    %swap3A_24 = vector.load %arg4[%swap3A_22, %swap3A_23] : memref<10000x1xf32, #tpu.memory_space<vmem>>, vector<10000x1xf32>
    tpu.vector_store %arg4[%swap3A_22, %swap3A_23], %slice3A {strides = array<i32>} : memref<10000x1xf32, #tpu.memory_space<vmem>>, vector<10000x1xf32>,
    return
  }
}

module attributes {stable_mosaic.version = 14 : i64} {
  func.func @_bn_body(%arg0: memref<2x10240x128xf32, #tpu.memory_space<vmem>>, %arg1: memref<10000x128xf32, #tpu.memory_space<vmem>>, %arg2: memref<10000x1xf32, #tpu.memory_space<vmem>>, %arg3: memref<1x128xf32, #tpu.memory_space<vmem>>, %arg4: memref<1x128xf32, #tpu.memory_space<vmem>>, %arg5: memref<10000x128xf32, #tpu.memory_space<vmem>>) attributes {dimension_semantics = [], scalar_prefetch = 0 : i64, scratch_operands = 0 : i64, tpu.core_type = #tpu.core_type<tc>} {
    %get3A = arith.constant 0 : index
    %get3A_0 = arith.constant 0 : index
    %get3A_1 = arith.constant 0 : index
    %get3A_2 = vector.load %arg0[%get3A, %get3A_0, %get3A_1] : memref<2x10240x128xf32, #tpu.memory_space<vmem>>, vector<1x10000x128xf32>
    %get3A_3 = vector.shape_cast %get3A_2 : vector<1x10000x128xf32> to vector<10000x128xf32>
    %get3A_4 = arith.constant 1 : index
    %get3A_5 = arith.constant 0 : index
    %get3A_6 = arith.constant 0 : index
    %get3A_7 = vector.load %arg0[%get3A_4, %get3A_5, %get3A_6] : memref<2x10240x128xf32, #tpu.memory_space<vmem>>, vector<1x10000x128xf32>
    %get3A_8 = vector.shape_cast %get3A_7 : vector<1x10000x128xf32> to vector<10000x128xf32>
    %add3A = arith.addf %get3A_3, %get3A_8 : vector<10000x128xf32>
    %get3A_9 = arith.constant 0 : index
    %get3A_10 = arith.constant 0 : index
    %get3A_11 = vector.load %arg2[%get3A_9, %get3A_10] : memref<10000x1xf32, #tpu.memory_space<vmem>>, vector<10000x1xf32>
    %get3A_12 = arith.constant 0 : index
    %get3A_13 = arith.constant 0 : index
    %get3A_14 = vector.load %arg1[%get3A_12, %get3A_13] : memref<10000x128xf32, #tpu.memory_space<vmem>>, vector<10000x128xf32>
    %add3A_15 = arith.addf %add3A, %get3A_14 : vector<10000x128xf32>
    %mul3A = vector.broadcast %get3A_11 : vector<10000x1xf32> to vector<10000x128xf32>
    %mul3A_16 = arith.mulf %mul3A, %add3A_15 : vector<10000x128xf32>
    %reduce_sum3A = arith.constant dense<0.000000e+00> : vector<128xf32>
    %reduce_sum3A_17 = vector.multi_reduction <add>, %mul3A_16, %reduce_sum3A [0] : vector<10000x128xf32> to vector<128xf32>
    %broadcast_in_dim3A = vector.shape_cast %reduce_sum3A_17 : vector<128xf32> to vector<1x128xf32>
    %div3A = arith.constant 1.000000e+04 : f32
    %div3A_18 = vector.broadcast %div3A : f32 to vector<1x128xf32>
    %div3A_19 = arith.divf %broadcast_in_dim3A, %div3A_18 : vector<1x128xf32>
    %sub3A = vector.broadcast %div3A_19 : vector<1x128xf32> to vector<10000x128xf32>
    %sub3A_20 = arith.subf %mul3A_16, %sub3A : vector<10000x128xf32>
    %integer_pow3A = arith.mulf %sub3A_20, %sub3A_20 : vector<10000x128xf32>
    %reduce_sum3A_21 = arith.constant dense<0.000000e+00> : vector<128xf32>
    %reduce_sum3A_22 = vector.multi_reduction <add>, %integer_pow3A, %reduce_sum3A_21 [0] : vector<10000x128xf32> to vector<128xf32>
    %broadcast_in_dim3A_23 = vector.shape_cast %reduce_sum3A_22 : vector<128xf32> to vector<1x128xf32>
    %div3A_24 = arith.constant 1.000000e+04 : f32
    %div3A_25 = vector.broadcast %div3A_24 : f32 to vector<1x128xf32>
    %div3A_26 = arith.divf %broadcast_in_dim3A_23, %div3A_25 : vector<1x128xf32>
    %sub3A_27 = vector.broadcast %div3A_19 : vector<1x128xf32> to vector<10000x128xf32>
    %sub3A_28 = arith.subf %mul3A_16, %sub3A_27 : vector<10000x128xf32>
    %add3A_29 = arith.constant 9.99999974E-6 : f32
    %add3A_30 = vector.broadcast %add3A_29 : f32 to vector<1x128xf32>
    %add3A_31 = arith.addf %div3A_26, %add3A_30 : vector<1x128xf32>
    %rsqrt3A = math.rsqrt %add3A_31 : vector<1x128xf32>
    %mul3A_32 = vector.broadcast %rsqrt3A : vector<1x128xf32> to vector<10000x128xf32>
    %mul3A_33 = arith.mulf %sub3A_28, %mul3A_32 : vector<10000x128xf32>
    %get3A_34 = arith.constant 0 : index
    %get3A_35 = arith.constant 0 : index
    %get3A_36 = vector.load %arg3[%get3A_34, %get3A_35] : memref<1x128xf32, #tpu.memory_space<vmem>>, vector<1x128xf32>
    %mul3A_37 = vector.broadcast %get3A_36 : vector<1x128xf32> to vector<10000x128xf32>
    %mul3A_38 = arith.mulf %mul3A_33, %mul3A_37 : vector<10000x128xf32>
    %get3A_39 = arith.constant 0 : index
    %get3A_40 = arith.constant 0 : index
    %get3A_41 = vector.load %arg4[%get3A_39, %get3A_40] : memref<1x128xf32, #tpu.memory_space<vmem>>, vector<1x128xf32>
    %add3A_42 = vector.broadcast %get3A_41 : vector<1x128xf32> to vector<10000x128xf32>
    %add3A_43 = arith.addf %mul3A_38, %add3A_42 : vector<10000x128xf32>
    %max3A = arith.constant 0.000000e+00 : f32
    %max3A_44 = vector.broadcast %max3A : f32 to vector<10000x128xf32>
    %max3A_45 = arith.maximumf %add3A_43, %max3A_44 : vector<10000x128xf32>
    %swap3A = arith.constant 0 : index
    %swap3A_46 = arith.constant 0 : index
    %swap3A_47 = vector.load %arg5[%swap3A, %swap3A_46] : memref<10000x128xf32, #tpu.memory_space<vmem>>, vector<10000x128xf32>
    tpu.vector_store %arg5[%swap3A, %swap3A_46], %max3A_45 {strides = array<i32>} : memref<10000x128xf32, #tpu.memory_space<vmem>>, vector<10000x128xf32>,
    return
  }
}

</mosaic_0001>

<sc_bundles>
// kernel: kernel.6.cloned.1.call-start
scs
__scs_entry_jumppad:
0x0: {  	(pc) =	sbr.rel $0x88, $3  }
0x1: {  	(tag) =	ssettag $0x0;
	lr =	simm.s32 $0x1  }
0x2: {  	[smem:$0x3F9C] =	sst lr;
	_ =	strace $0xD0000000  }
0x3: {  	_ = 	snop  }
0x4: {  	_ = 	snop  }
0x5: {  	_ = 	snop  }
0x6: {  	_ = 	snop  }
0x7: {  	_ = 	snop  }
__scs_overlays_trampoline_lowered:
0x8: {  	[smem:$0x3FAB] =	sst s0  }
0x9: {  	[smem:$0x3FAC] =	sst s1  }
0xa: {  	[smem:$0x3FAD] =	sst s2  }
0xb: {  	[smem:$0x3FAE] =	sst s3  }
0xc: {  	[smem:$0x3FAF] =	sst s4  }
0xd: {  	[smem:$0x3FB0] =	sst s5  }
0xe: {  	[smem:$0x3FB1] =	sst s6  }
0xf: {  	[smem:$0x3FB2] =	sst s7  }
0x10: {  	[smem:$0x3FB3] =	sst s8  }
0x11: {  	[smem:$0x3FB4] =	sst s9;
	s0 =	simm.s32 @!p0 $0x0  }
0x12: {  	s1 =	sld [smem:$0x3F9A];
	s0 =	simm.s32 @p0 $0x1  }
0x13: {  	[smem:$0x3FB5] =	sst s0;
	s0 =	simm.s32 @!p1 $0x0  }
0x14: {  	s2 =	sld [smem:$0x3F99];
	s0 =	simm.s32 @p1 $0x1  }
0x15: {  	[smem:$0x3FB6] =	sst s0;
	s0 =	simm.s32 @!p2 $0x0  }
0x16: {  	s3 =	sld [smem:$0x3FDB];
	s0 =	simm.s32 @p2 $0x1  }
0x17: {  	s4 =	simm.s32 $0x1BF5;
	[smem:$0x3FB8] =	sst s0  }
0x18: {  	s0 =	sld [smem:$0x3F9B];
	_ =	swait.ge [sflag:s4], $0x0  }
0x19: {  	s7 =	sld [smem:$0x3F9C]  }
0x1a: {  	s8 =	sadd.s32 $0xFFFFE003, lr  }
0x1b: {  	s9 =	sadd.s32 $0xFFFFFEF7, lr;
	s5 =	simm.s32 $0xFFFFFFFF;
	p2 =	slt.u32 s8, $0xFFFFF086  }
0x1c: {  	p1 =	slt.u32 s9, $0xF7A;
	s5 =	simm.s32 @!p2 $0x0  }
0x1d: {  	s5 =	simm.s32 @p1 $0x1;
	p0 =	seq.s32 s7, s2  }
0x1e: {  	s7 =	smul.u32 @!p0 $0xF7A, s2;
	p2 =	seq.s32 @!p0 s5, $0x0  }
0x1f: {  	s9 =	smul.u32 $0xF7A, s1;
	s8 =	simm.s32 @!p0 $0x1BF5;
	p2 =	por !p2, p0  }
0x20: {  	[sflag:s8] =	ssyncset.s32 @!p0 $0xFFFFF086;
	s6 =	sadd.s32 @!p0 s3, s7;
	s7 =	simm.s32 @!p0 $0x108  }
0x21: {  	s3 =	sadd.s32 s3, s9;
	s6 =	sadd.s32 @!p0 $0x88, s6;
	s7 =	simm.s32 @p2 $0x1082  }
0x22: {  	[simem:s7], [sflag:s8] =	dma.local @!p0 [hbm:s6], $0xF7A  }
0x23: {  	s9 =	sor.u32 $0xD0000000, s2;
	s6 =	simm.s32 $0x108;
	_ =	swait.ge @!p0 [sflag:s8], $0x0  }
0x24: {  	s3 =	sadd.s32 $0x88, s3;
	s6 =	simm.s32 @!p1 $0x1082;
	[sflag:s4] =	ssyncset.s32 $0xFFFFF086  }
0x25: {  	[simem:s6], [sflag:s4] =	dma.local [hbm:s3], $0xF7A  }
0x26: {  	[smem:$0x3F9C] =	sst s1;
	(tag) =	ssettag s2;
	_ =	strace s9  }
0x27: {  	s1 =	sld [smem:$0x3FAC]  }
0x28: {  	s2 =	sld [smem:$0x3FAD]  }
0x29: {  	s4 =	sld [smem:$0x3FAF]  }
0x2a: {  	p0 =	seq.s32 s5, $0x0;
	s5 =	sld [smem:$0x3FB0]  }
0x2b: {  	s6 =	sld [smem:$0x3FB1]  }
0x2c: {  	s7 =	sld [smem:$0x3FB2]  }
0x2d: {  	s3 =	simm.s32 $0x108;
	s8 =	sld [smem:$0x3FB3]  }
0x2e: {  	s3 =	simm.s32 @!p0 $0x1082;
	s9 =	sld [smem:$0x3FB4]  }
0x2f: {  	lr =	sadd.s32 s0, s3;
	s0 =	sld [smem:$0x3FAB]  }
0x30: {  	s3 =	sld [smem:$0x3FAE]  }
0x31: {  	[smem:$0x3FB7] =	sst s10  }
0x32: {  	s10 =	sld [smem:$0x3FB5];
	_ =	sdelay $0x3  }
0x33: {  	p0 =	seq.s32 s10, $0x1;
	s10 =	sld [smem:$0x3FB7];
	_ =	sdelay $0x3  }
0x34: {  	[smem:$0x3FB7] =	sst s10  }
0x35: {  	s10 =	sld [smem:$0x3FB6];
	_ =	sdelay $0x3  }
0x36: {  	p1 =	seq.s32 s10, $0x1;
	s10 =	sld [smem:$0x3FB7];
	_ =	sdelay $0x3  }
0x37: {  	[smem:$0x3FB7] =	sst s10  }
0x38: {  	s10 =	sld [smem:$0x3FB8]  }
0x39: {  	_ = 	snop;
	(pc) =	sbr.ind lr, $3  }
0x3a: {  	_ = 	snop  }
0x3b: {  	_ = 	snop  }
0x3c: {  	p2 =	seq.s32 s10, $0x1;
	s10 =	sld [smem:$0x3FB7]  }
0x3d: {  	_ =	shalt  }
0x3e: {  	_ =	shalt  }
0x3f: {  	_ =	shalt  }
0x40: {  	_ =	shalt  }
0x41: {  	_ =	shalt  }
0x42: {  	_ =	shalt  }
0x43: {  	_ =	shalt  }
0x44: {  	_ =	shalt  }
0x45: {  	_ =	shalt  }
0x46: {  	_ =	shalt  }
0x47: {  	_ =	shalt  }
0x48: {  	_ =	shalt  }
0x49: {  	_ =	shalt  }
0x4a: {  	_ =	shalt  }
0x4b: {  	_ =	shalt  }
0x4c: {  	_ =	shalt  }
0x4d: {  	_ =	shalt  }
0x4e: {  	_ =	shalt  }
0x4f: {  	_ =	shalt  }
0x50: {  	_ =	shalt  }
0x51: {  	_ =	shalt  }
0x52: {  	_ =	shalt  }
0x53: {  	_ =	shalt  }
0x54: {  	_ =	shalt  }
0x55: {  	_ =	shalt  }
0x56: {  	_ =	shalt  }
0x57: {  	_ =	shalt  }
0x58: {  	_ =	shalt  }
0x59: {  	_ =	shalt  }
0x5a: {  	_ =	shalt  }
0x5b: {  	_ =	shalt  }
0x5c: {  	_ =	shalt  }
0x5d: {  	_ =	shalt  }
0x5e: {  	_ =	shalt  }
0x5f: {  	_ =	shalt  }
0x60: {  	_ =	shalt  }
0x61: {  	_ =	shalt  }
0x62: {  	_ =	shalt  }
0x63: {  	_ =	shalt  }
0x64: {  	_ =	shalt  }
0x65: {  	_ =	shalt  }
0x66: {  	_ =	shalt  }
0x67: {  	_ =	shalt  }
0x68: {  	_ =	shalt  }
0x69: {  	_ =	shalt  }
0x6a: {  	_ =	shalt  }
0x6b: {  	_ =	shalt  }
0x6c: {  	_ =	shalt  }
0x6d: {  	_ =	shalt  }
0x6e: {  	_ =	shalt  }
0x6f: {  	_ =	shalt  }
0x70: {  	_ =	shalt  }
0x71: {  	_ =	shalt  }
0x72: {  	_ =	shalt  }
0x73: {  	_ =	shalt  }
0x74: {  	_ =	shalt  }
0x75: {  	_ =	shalt  }
0x76: {  	_ =	shalt  }
0x77: {  	_ =	shalt  }
0x78: {  	_ =	shalt  }
0x79: {  	_ =	shalt  }
0x7a: {  	_ =	shalt  }
0x7b: {  	_ =	shalt  }
0x7c: {  	_ =	shalt  }
0x7d: {  	_ =	shalt  }
0x7e: {  	_ =	shalt  }
0x7f: {  	_ =	shalt  }
0x80: {  	_ =	shalt  }
0x81: {  	_ =	shalt  }
0x82: {  	_ =	shalt  }
0x83: {  	_ =	shalt  }
0x84: {  	_ =	shalt  }
0x85: {  	_ =	shalt  }
0x86: {  	_ =	shalt  }
0x87: {  	_ =	shalt  }
.Lfunc_end0:
.L_simem_size_0:
called_computation_lowered:
.L_overlay_start_0:
0x88: {  	s2 =	sld [smem:$0x3FD9]  }
0x89: {  	s3 =	sld [smem:$0x3FFE];
	_ =	sdelay $0x1  }
0x8a: {  	s1 =	srdreg.scid  }
0x8b: {  	s0 =	sand.u32 $0x1, s1  }
0x8c: {  	s17 =	sshll.u32 s0, $0xA;
	s2 =	sadd.s32 s3, s2  }
0x8d: {  	s2 =	sadd.s32 s2, s17  }
0x8e: {  	[smem:$0x3FC3] =	sst s2  }
0x8f: {  	_ = 	snop  }
0x90: {  	s2 =	sld [smem:$0x3FD0];
	(tm) =	ssettm $0x1  }
0x91: {  	s18 =	sld [smem:$0x3FFB];
	_ =	sdelay $0x3  }
0x92: {  	_ =	strace s18  }
0x93: {  	s3 =	sld [smem:$0x3FFC];
	_ =	sdelay $0x3  }
0x94: {  	_ =	strace s3  }
0x95: {  	s3 =	sld [smem:$0x3FFD];
	_ =	sdelay $0x3  }
0x96: {  	_ =	strace s3  }
0x97: {  	_ =	strace $0x8FFFFFFF  }
0x98: {  	s19 =	sld [smem:$0x3FDB];
	_ =	sdelay $0x1  }
0x99: {  	s4 =	simm.s32 $_scs_section_size  }
0x9a: {  	s5 =	simm.s32 $_size__tile_overlayer_lowered;
	s6 =	simm.s32 $_tile_overlayer_lowered  }
0x9b: {  	s22 =	simm.s32 $0x1BFF;
	s21 =	sshll.u32 s6, $0x1;
	s3 =	sadd.s32 s4, s19  }
0x9c: {  	s7 =	simm.s32 $0x0;
	s20 =	sshll.u32 s5, $0x1;
	s5 =	sadd.s32 s21, s3  }
0x9d: {  	[timem:s7], [sflag:s22] =	dma.local [hbm:s5], s20  }
0x9e: {  	_ =	swait.ge [sflag:s22], s20  }
0x9f: {  	s4 =	ssub.s32 $0x0, s20;
	[sflag:s22] =	ssyncset.done $0x0  }
0xa0: {  	[sflag:s22] =	ssyncadd.s32 s4;
	_ =	sdelay $0x1  }
0xa1: {  	s23 =	simm.s32 $0x1B8B  }
0xa2: {  	_ =	swait.ge [sflag:s23], $0x1  }
0xa3: {  	[sflag:s23] =	ssyncset.done $0x0  }
0xa4: {  	s25 =	simm.s32 $0x1B8E;
	s24 =	sld [smem:$0x3FFE];
	[sflag:s23] =	ssyncadd.s32 $0xFFFFFFFF  }
0xa5: {  	s26 =	simm.s32 $execute0_lowered;
	[smem:$0x3FD2] =	sst s25  }
0xa6: {  	s5 =	sshll.u32 s26, $0x1;
	_ =	strace $0x80000046;
	[dreg:$0x1] =	wrdreg $0xFFFFFFFF  }
0xa7: {  	s28 =	simm.s32 $_size_execute0_lowered;
	s3 =	sadd.s32 s3, s5;
	[dreg:$0x0] =	wrdreg $0x0  }
0xa8: {  	s5 =	sshll.u32 s28, $0x1;
	[dreg:$0x2] =	wrdreg s3  }
0xa9: {  	[dreg:$0x3] =	wrdreg s5  }
0xaa: {  	[dreg:$0x4] =	wrdreg $0xC0  }
0xab: {  	_ =	task [dreg:s7], $0x5FFFF  }
0xac: {  	[dreg:$0x1] =	wrdreg $0xFFFFFFFF  }
0xad: {  	[dreg:$0x0] =	wrdreg $0x60  }
0xae: {  	[dreg:$0x2] =	wrdreg s24  }
0xaf: {  	[dreg:$0x3] =	wrdreg s2  }
0xb0: {  	[dreg:$0x4] =	wrdreg $0x40800  }
0xb1: {  	[dreg:$0x5] =	wrdreg $0x9  }
0xb2: {  	_ =	task.clear_ibuf [dreg:s7], $0x6FFFF;
	_ =	strace $0x90000046  }
0xb3: {  	s29 =	simm.s32 $0x9;
	_ =	strace $0x80000048  }
0xb4: {  	_ =	swait.ge [sflag:s29], $0x1  }
0xb5: {  	[sflag:s29] =	ssyncadd.s32 $0xFFFFFFFF  }
0xb6: {  	_ =	strace $0x90000048  }
0xb7: {  	_ =	sfence  }
0xb8: {  	s30 =	sld [smem:$0x0];
	_ =	sdelay $0x2  }
0xb9: {  	s31 =	sshll.u32 s1, $0xD;
	s1 =	sshrl.u32 s1, $0x2  }
0xba: {  	s3 =	sand.u32 $0x4000, s31;
	s1 =	sadd.s32 s1, s30  }
0xbb: {  	s0 =	sor.u32 s3, s0;
	s1 =	sshll.u32 s1, $0x11  }
0xbc: {  	s0 =	sor.u32 s1, s0  }
0xbd: {  	s0 =	sadd.s32 $0x8F2B, s0  }
0xbe: {  	[sflag:s0] =	ssyncadd.remote.s32 $0x1  }
0xbf: {  	_ =	sfence.sel $0xFFFF  }
0xc0: {  	[dreg:$0x0] =	wrdreg $0xFFFFFFFF;
	(pc) =	sbr.abs _section_cstart, $3  }
0xc1: {  	[dreg:$0x1] =	wrdreg $0xFFFFFFFF  }
0xc2: {  	_ =	task.clear_ibuf [dreg:s7], $0x2FFFF;
	_ =	strace $0x9FFFFFFF  }
0xc3: {  	(tm) =	ssettm $0x7FFFFFFF  }
tec
execute0_lowered:
.L_overlay_start_1:
0x0: {  	(tag) =	ssettag $0x1  }
0x1: {  	s5 =	rddreg [dreg:$0x0]  }
0x2: {  	s1 =	rddreg [dreg:$0x1];
	s2 =	stileid.u32  }
0x3: {  	s0 =	srdreg.scid;
	s8 =	smul.u32 $0x14000, s2  }
0x4: {  	s3 =	rddreg [dreg:$0x2];
	s26 =	smul.u32 $0x50000, s2  }
0x5: {  	s4 =	simm.s32 $0x0;
	s6 =	sand.u32 $0x1, s0;
	s30 =	smul.u32 $0x4F0, s2  }
0x6: {  	s13 =	simm.s32 $0x0;
	s0 =	rddreg [dreg:$0x3];
	s7 =	smul.u32 $0x4F00, s6  }
0x7: {  	[smem:$0x7FF] =	sst s4;
	s31 =	sshll.u32 s2, $0x6;
	s9 =	smul.u32 $0x140000, s6  }
0x8: {  	_ =	strace $0x80000047;
	s6 =	ssub.s32 $0x2, s6;
	s25 =	sshrl.u32 s8, $0x3  }
0x9: {  	s28 =	sshrl.u32 s6, $0x1;
	s29 =	sshrl.u32 s26, $0x2;
	s10 =	sadd.s32 s7, s5  }
0xa: {  	s8 =	sadd.s32 s8, s9;
	s7 =	sadd.s32 s25, s5;
	s11 =	ssub.s32 s6, s28  }
0xb: {  	s12 =	sadd.s32 s29, s3;
	s6 =	sor.u32 $0x1C01, s31;
	s8 =	sshrl.u32 s8, $0x3  }
0xc: {  	s9 =	sadd.s32 s30, s10;
	s10 =	sshrl.u32 s12, $0x3;
	s12 =	simm.s32 $0x80  }
0xd: {  	s8 =	sadd.s32 s8, s5;
	s5 =	sadd.s32 $0xBA00, s7;
	s9 =	sadd.s32 $0x1C00, s9  }
0xe: {  	s7 =	sadd.s32 $0x33A00, s8;
	s8 =	smax.u32 s11, $0x1;
	s11 =	simm.s32 $0x1  }
.LBB2_1:
0xf: {  	[spmem:s10], [sflag:s6] =	dma.local [hbm:s5], $0x2800  }
0x10: {  	_ =	swait.ge [sflag:s11], $0x2800  }
0x11: {  	[sflag:s11] =	ssyncset.done $0x0  }
0x12: {  	[sflag:s11] =	ssyncadd.s32 $0xFFFFD800  }
0x13: {  	[tilespmem:s12], [sflag:$0x1] =	stream.linear.gather [hbm4b:s1+s4], $0x4000, $0x38;
	[tilespmem:$0x18080] =	vst v63  }
0x14: {  	_ =	swait.ge [sflag:s11], $0x4000  }
0x15: {  	[sflag:s11] =	ssyncset.done $0x0  }
0x16: {  	[sflag:s11] =	ssyncadd.s32 $0xFFFFC000  }
0x17: {  	s14 =	sadd.s32 $0x0, s9;
	[bflag:$0x0] =	sbarrier.arrive $0xFFFF  }
0x18: {  	[tilespmem:s4], [sflag:$0x1] =	stream.linear.gather [hbm4b:s14+s4], $0x80, $0x38;
	[tilespmem:$0x18080] =	vst v63  }
0x19: {  	_ =	swait.ge [sflag:s11], $0x80  }
0x1a: {  	[sflag:s11] =	ssyncset.done $0x0  }
0x1b: {  	[sflag:s11] =	ssyncadd.s32 $0xFFFFFF80  }
0x1c: {  	[spmem:s3] =	stream.indirect.scatter.add.f32 [tilespmem:s12], [sflag:$0x1], $0x80, s4, s12, $0xb8;
	[tilespmem:$0x18080] =	vst v63  }
0x1d: {  	_ =	swait.ge [sflag:s11], $0x4000  }
0x1e: {  	s15 =	simm.s32 $0x20;
	s14 =	simm.s32 $0x10;
	[sflag:s11] =	ssyncset.done $0x0  }
.LBB2_2:
0x1f: {  	s16 =	sadd.s32 s14, s9  }
0x20: {  	[sflag:s11] =	ssyncadd.s32 $0xFFFFC000;
	s14 =	smov.u32 s15;
	s17 =	sadd.s32 $0x10, s15  }
0x21: {  	[tilespmem:s4], [sflag:$0x1] =	stream.linear.gather [hbm4b:s16+s4], $0x80, $0x38;
	[tilespmem:$0x18080] =	vst v63  }
0x22: {  	p0 =	sne.s32 s15, $0x4E0;
	_ =	swait.ge [sflag:s11], $0x80  }
.Ltmp0:
0x23: {  	[sflag:s11] =	ssyncset.done $0x0;
	(pc) =	sbr.rel @p0 .LBB2_2-.Ltmp0, $4  }
0x24: {  	[sflag:s11] =	ssyncadd.s32 $0xFFFFFF80  }
0x25: {  	[spmem:s3] =	stream.indirect.scatter.add.f32 [tilespmem:s12], [sflag:$0x1], $0x80, s4, s12, $0xb8;
	[tilespmem:$0x18080] =	vst v63  }
0x26: {  	_ =	swait.ge [sflag:s11], $0x4000  }
0x27: {  	s15 =	smov.u32 s17;
	[sflag:s11] =	ssyncset.done $0x0  }
0x28: {  	s14 =	sadd.s32 s14, s9;
	[sflag:s11] =	ssyncadd.s32 $0xFFFFC000  }
0x29: {  	[tilespmem:s4], [sflag:$0x1] =	stream.linear.gather [hbm4b:s14+s4], $0x80, $0x38;
	[tilespmem:$0x18080] =	vst v63  }
0x2a: {  	_ =	swait.ge [sflag:s11], $0x80  }
0x2b: {  	[sflag:s11] =	ssyncset.done $0x0  }
0x2c: {  	[sflag:s11] =	ssyncadd.s32 $0xFFFFFF80  }
0x2d: {  	[spmem:s3] =	stream.indirect.scatter.add.f32 [tilespmem:s12], [sflag:$0x1], $0x80, s4, s12, $0xb8;
	[tilespmem:$0x18080] =	vst v63  }
0x2e: {  	_ =	swait.ge [sflag:s11], $0x4000  }
0x2f: {  	s13 =	sadd.s32 $0x1, s13;
	[sflag:s11] =	ssyncset.done $0x0  }
0x30: {  	p0 =	sne.s32 s13, s8;
	[sflag:s11] =	ssyncadd.s32 $0xFFFFC000  }
.Ltmp1:
0x31: {  	[bflag:$0x0] =	sbarrier.arrive $0xFFFF;
	(pc) =	sbr.rel @p0 .LBB2_1-.Ltmp1, $4  }
0x32: {  	[hbm:s7], [sflag:s6] =	dma.local [spmem:s10], $0x2800  }
0x33: {  	_ =	swait.ge [sflag:s11], $0x2800  }
0x34: {  	[sflag:s11] =	ssyncset.done $0x0  }
0x35: {  	[sflag:s11] =	ssyncadd.s32 $0xFFFFD800  }
0x36: {  	_ =	sfence.sel $0x180000  }
0x37: {  	[bflag:$0x0] =	sbarrier.arrive $0xFFFF  }
0x38: {  	p0 =	sne.s32 s2, $0x0;
	_ =	strace $0x90000047  }
0x39: {  	s0 =	sadd.s32 @!p0 $0x100000, s0;
	[bflag:$0x2] =	sbarrier.arrive $0xFFFF  }
0x3a: {  	[sflag:s0] =	ssyncadd.tile.s32 @!p0 $0x1;
	_ =	shalt  }
.Lfunc_end2:
_tile_overlayer_lowered:
.L_overlay_start_2:
0x3b: {  	(tag) =	ssettag $0x2  }
0x3c: {  	s0 =	rddreg [dreg:$0x0];
	s2 =	stileid.u32  }
0x3d: {  	s1 =	rddreg [dreg:$0x1];
	p0 =	sne.s32 s2, $0x0  }
0x3e: {  	s3 =	rddreg [dreg:$0x2];
	[bflag:$0x3] =	sbarrier.arrive $0xFFFF;
	s2 =	simm.s32 @!p0 $0x1C01  }
0x3f: {  	[timem:s3], [sflag:s2] =	dma.local @!p0 [hbm:s0], s1  }
0x40: {  	s0 =	simm.s32 @!p0 $0x1  }
0x41: {  	_ =	swait.ge @!p0 [sflag:s0], s1  }
0x42: {  	s1 =	ssub.s32 @!p0 $0x0, s1;
	[sflag:s0] =	ssyncset.done @!p0 $0x0  }
0x43: {  	[sflag:s0] =	ssyncadd.s32 @!p0 s1  }
0x44: {  	[bflag:$0x3] =	sbarrier.arrive $0xFFFF  }
0x45: {  	_ =	shalt  }

// kernel: kernel.9.cloned.1.call-start
scs
__scs_entry_jumppad:
0x0: {  	(pc) =	sbr.rel $0x88, $3  }
0x1: {  	(tag) =	ssettag $0x0;
	lr =	simm.s32 $0x1  }
0x2: {  	[smem:$0x3F9C] =	sst lr;
	_ =	strace $0xD0000000  }
0x3: {  	_ = 	snop  }
0x4: {  	_ = 	snop  }
0x5: {  	_ = 	snop  }
0x6: {  	_ = 	snop  }
0x7: {  	_ = 	snop  }
__scs_overlays_trampoline_lowered:
0x8: {  	[smem:$0x3FAB] =	sst s0  }
0x9: {  	[smem:$0x3FAC] =	sst s1  }
0xa: {  	[smem:$0x3FAD] =	sst s2  }
0xb: {  	[smem:$0x3FAE] =	sst s3  }
0xc: {  	[smem:$0x3FAF] =	sst s4  }
0xd: {  	[smem:$0x3FB0] =	sst s5  }
0xe: {  	[smem:$0x3FB1] =	sst s6  }
0xf: {  	[smem:$0x3FB2] =	sst s7  }
0x10: {  	[smem:$0x3FB3] =	sst s8  }
0x11: {  	[smem:$0x3FB4] =	sst s9;
	s0 =	simm.s32 @!p0 $0x0  }
0x12: {  	s1 =	sld [smem:$0x3F9A];
	s0 =	simm.s32 @p0 $0x1  }
0x13: {  	[smem:$0x3FB5] =	sst s0;
	s0 =	simm.s32 @!p1 $0x0  }
0x14: {  	s2 =	sld [smem:$0x3F99];
	s0 =	simm.s32 @p1 $0x1  }
0x15: {  	[smem:$0x3FB6] =	sst s0;
	s0 =	simm.s32 @!p2 $0x0  }
0x16: {  	s3 =	sld [smem:$0x3FDB];
	s0 =	simm.s32 @p2 $0x1  }
0x17: {  	s4 =	simm.s32 $0x1BF5;
	[smem:$0x3FB8] =	sst s0  }
0x18: {  	s0 =	sld [smem:$0x3F9B];
	_ =	swait.ge [sflag:s4], $0x0  }
0x19: {  	s7 =	sld [smem:$0x3F9C]  }
0x1a: {  	s8 =	sadd.s32 $0xFFFFE003, lr  }
0x1b: {  	s9 =	sadd.s32 $0xFFFFFEF7, lr;
	s5 =	simm.s32 $0xFFFFFFFF;
	p2 =	slt.u32 s8, $0xFFFFF086  }
0x1c: {  	p1 =	slt.u32 s9, $0xF7A;
	s5 =	simm.s32 @!p2 $0x0  }
0x1d: {  	s5 =	simm.s32 @p1 $0x1;
	p0 =	seq.s32 s7, s2  }
0x1e: {  	s7 =	smul.u32 @!p0 $0xF7A, s2;
	p2 =	seq.s32 @!p0 s5, $0x0  }
0x1f: {  	s9 =	smul.u32 $0xF7A, s1;
	s8 =	simm.s32 @!p0 $0x1BF5;
	p2 =	por !p2, p0  }
0x20: {  	[sflag:s8] =	ssyncset.s32 @!p0 $0xFFFFF086;
	s6 =	sadd.s32 @!p0 s3, s7;
	s7 =	simm.s32 @!p0 $0x108  }
0x21: {  	s3 =	sadd.s32 s3, s9;
	s6 =	sadd.s32 @!p0 $0x88, s6;
	s7 =	simm.s32 @p2 $0x1082  }
0x22: {  	[simem:s7], [sflag:s8] =	dma.local @!p0 [hbm:s6], $0xF7A  }
0x23: {  	s9 =	sor.u32 $0xD0000000, s2;
	s6 =	simm.s32 $0x108;
	_ =	swait.ge @!p0 [sflag:s8], $0x0  }
0x24: {  	s3 =	sadd.s32 $0x88, s3;
	s6 =	simm.s32 @!p1 $0x1082;
	[sflag:s4] =	ssyncset.s32 $0xFFFFF086  }
0x25: {  	[simem:s6], [sflag:s4] =	dma.local [hbm:s3], $0xF7A  }
0x26: {  	[smem:$0x3F9C] =	sst s1;
	(tag) =	ssettag s2;
	_ =	strace s9  }
0x27: {  	s1 =	sld [smem:$0x3FAC]  }
0x28: {  	s2 =	sld [smem:$0x3FAD]  }
0x29: {  	s4 =	sld [smem:$0x3FAF]  }
0x2a: {  	p0 =	seq.s32 s5, $0x0;
	s5 =	sld [smem:$0x3FB0]  }
0x2b: {  	s6 =	sld [smem:$0x3FB1]  }
0x2c: {  	s7 =	sld [smem:$0x3FB2]  }
0x2d: {  	s3 =	simm.s32 $0x108;
	s8 =	sld [smem:$0x3FB3]  }
0x2e: {  	s3 =	simm.s32 @!p0 $0x1082;
	s9 =	sld [smem:$0x3FB4]  }
0x2f: {  	lr =	sadd.s32 s0, s3;
	s0 =	sld [smem:$0x3FAB]  }
0x30: {  	s3 =	sld [smem:$0x3FAE]  }
0x31: {  	[smem:$0x3FB7] =	sst s10  }
0x32: {  	s10 =	sld [smem:$0x3FB5];
	_ =	sdelay $0x3  }
0x33: {  	p0 =	seq.s32 s10, $0x1;
	s10 =	sld [smem:$0x3FB7];
	_ =	sdelay $0x3  }
0x34: {  	[smem:$0x3FB7] =	sst s10  }
0x35: {  	s10 =	sld [smem:$0x3FB6];
	_ =	sdelay $0x3  }
0x36: {  	p1 =	seq.s32 s10, $0x1;
	s10 =	sld [smem:$0x3FB7];
	_ =	sdelay $0x3  }
0x37: {  	[smem:$0x3FB7] =	sst s10  }
0x38: {  	s10 =	sld [smem:$0x3FB8]  }
0x39: {  	_ = 	snop;
	(pc) =	sbr.ind lr, $3  }
0x3a: {  	_ = 	snop  }
0x3b: {  	_ = 	snop  }
0x3c: {  	p2 =	seq.s32 s10, $0x1;
	s10 =	sld [smem:$0x3FB7]  }
0x3d: {  	_ =	shalt  }
0x3e: {  	_ =	shalt  }
0x3f: {  	_ =	shalt  }
0x40: {  	_ =	shalt  }
0x41: {  	_ =	shalt  }
0x42: {  	_ =	shalt  }
0x43: {  	_ =	shalt  }
0x44: {  	_ =	shalt  }
0x45: {  	_ =	shalt  }
0x46: {  	_ =	shalt  }
0x47: {  	_ =	shalt  }
0x48: {  	_ =	shalt  }
0x49: {  	_ =	shalt  }
0x4a: {  	_ =	shalt  }
0x4b: {  	_ =	shalt  }
0x4c: {  	_ =	shalt  }
0x4d: {  	_ =	shalt  }
0x4e: {  	_ =	shalt  }
0x4f: {  	_ =	shalt  }
0x50: {  	_ =	shalt  }
0x51: {  	_ =	shalt  }
0x52: {  	_ =	shalt  }
0x53: {  	_ =	shalt  }
0x54: {  	_ =	shalt  }
0x55: {  	_ =	shalt  }
0x56: {  	_ =	shalt  }
0x57: {  	_ =	shalt  }
0x58: {  	_ =	shalt  }
0x59: {  	_ =	shalt  }
0x5a: {  	_ =	shalt  }
0x5b: {  	_ =	shalt  }
0x5c: {  	_ =	shalt  }
0x5d: {  	_ =	shalt  }
0x5e: {  	_ =	shalt  }
0x5f: {  	_ =	shalt  }
0x60: {  	_ =	shalt  }
0x61: {  	_ =	shalt  }
0x62: {  	_ =	shalt  }
0x63: {  	_ =	shalt  }
0x64: {  	_ =	shalt  }
0x65: {  	_ =	shalt  }
0x66: {  	_ =	shalt  }
0x67: {  	_ =	shalt  }
0x68: {  	_ =	shalt  }
0x69: {  	_ =	shalt  }
0x6a: {  	_ =	shalt  }
0x6b: {  	_ =	shalt  }
0x6c: {  	_ =	shalt  }
0x6d: {  	_ =	shalt  }
0x6e: {  	_ =	shalt  }
0x6f: {  	_ =	shalt  }
0x70: {  	_ =	shalt  }
0x71: {  	_ =	shalt  }
0x72: {  	_ =	shalt  }
0x73: {  	_ =	shalt  }
0x74: {  	_ =	shalt  }
0x75: {  	_ =	shalt  }
0x76: {  	_ =	shalt  }
0x77: {  	_ =	shalt  }
0x78: {  	_ =	shalt  }
0x79: {  	_ =	shalt  }
0x7a: {  	_ =	shalt  }
0x7b: {  	_ =	shalt  }
0x7c: {  	_ =	shalt  }
0x7d: {  	_ =	shalt  }
0x7e: {  	_ =	shalt  }
0x7f: {  	_ =	shalt  }
0x80: {  	_ =	shalt  }
0x81: {  	_ =	shalt  }
0x82: {  	_ =	shalt  }
0x83: {  	_ =	shalt  }
0x84: {  	_ =	shalt  }
0x85: {  	_ =	shalt  }
0x86: {  	_ =	shalt  }
0x87: {  	_ =	shalt  }
.Lfunc_end0:
.L_simem_size_0:
called_computation.1_lowered:
.L_overlay_start_0:
0x88: {  	s2 =	sld [smem:$0x3FD9]  }
0x89: {  	s3 =	sld [smem:$0x3FFE];
	_ =	sdelay $0x1  }
0x8a: {  	s1 =	srdreg.scid  }
0x8b: {  	s0 =	sand.u32 $0x1, s1  }
0x8c: {  	s17 =	sshll.u32 s0, $0xA;
	s2 =	sadd.s32 s3, s2  }
0x8d: {  	s2 =	sadd.s32 s2, s17  }
0x8e: {  	[smem:$0x3FC3] =	sst s2  }
0x8f: {  	_ = 	snop  }
0x90: {  	s2 =	sld [smem:$0x3FD0];
	(tm) =	ssettm $0x1  }
0x91: {  	s18 =	sld [smem:$0x3FFB];
	_ =	sdelay $0x3  }
0x92: {  	_ =	strace s18  }
0x93: {  	s3 =	sld [smem:$0x3FFC];
	_ =	sdelay $0x3  }
0x94: {  	_ =	strace s3  }
0x95: {  	s3 =	sld [smem:$0x3FFD];
	_ =	sdelay $0x3  }
0x96: {  	_ =	strace s3  }
0x97: {  	_ =	strace $0x8FFFFFFF  }
0x98: {  	s19 =	sld [smem:$0x3FDB];
	_ =	sdelay $0x1  }
0x99: {  	s4 =	simm.s32 $_scs_section_size  }
0x9a: {  	s5 =	simm.s32 $_size__tile_overlayer_lowered;
	s6 =	simm.s32 $_tile_overlayer_lowered  }
0x9b: {  	s22 =	simm.s32 $0x1BFF;
	s21 =	sshll.u32 s6, $0x1;
	s3 =	sadd.s32 s4, s19  }
0x9c: {  	s7 =	simm.s32 $0x0;
	s20 =	sshll.u32 s5, $0x1;
	s5 =	sadd.s32 s21, s3  }
0x9d: {  	[timem:s7], [sflag:s22] =	dma.local [hbm:s5], s20  }
0x9e: {  	_ =	swait.ge [sflag:s22], s20  }
0x9f: {  	s4 =	ssub.s32 $0x0, s20;
	[sflag:s22] =	ssyncset.done $0x0  }
0xa0: {  	[sflag:s22] =	ssyncadd.s32 s4;
	_ =	sdelay $0x1  }
0xa1: {  	s23 =	simm.s32 $0x1B8B  }
0xa2: {  	_ =	swait.ge [sflag:s23], $0x1  }
0xa3: {  	[sflag:s23] =	ssyncset.done $0x0  }
0xa4: {  	s25 =	simm.s32 $0x1B8E;
	s24 =	sld [smem:$0x3FFE];
	[sflag:s23] =	ssyncadd.s32 $0xFFFFFFFF  }
0xa5: {  	s26 =	simm.s32 $execute0_lowered;
	[smem:$0x3FD2] =	sst s25  }
0xa6: {  	s5 =	sshll.u32 s26, $0x1;
	_ =	strace $0x80000049;
	[dreg:$0x1] =	wrdreg $0xFFFFFFFF  }
0xa7: {  	s28 =	simm.s32 $_size_execute0_lowered;
	s3 =	sadd.s32 s3, s5;
	[dreg:$0x0] =	wrdreg $0x0  }
0xa8: {  	s5 =	sshll.u32 s28, $0x1;
	[dreg:$0x2] =	wrdreg s3  }
0xa9: {  	[dreg:$0x3] =	wrdreg s5  }
0xaa: {  	[dreg:$0x4] =	wrdreg $0xC0  }
0xab: {  	_ =	task [dreg:s7], $0x5FFFF  }
0xac: {  	[dreg:$0x1] =	wrdreg $0xFFFFFFFF  }
0xad: {  	[dreg:$0x0] =	wrdreg $0x60  }
0xae: {  	[dreg:$0x2] =	wrdreg s24  }
0xaf: {  	[dreg:$0x3] =	wrdreg s2  }
0xb0: {  	[dreg:$0x4] =	wrdreg $0x41000  }
0xb1: {  	[dreg:$0x5] =	wrdreg $0x9  }
0xb2: {  	_ =	task.clear_ibuf [dreg:s7], $0x6FFFF;
	_ =	strace $0x90000049  }
0xb3: {  	s29 =	simm.s32 $0x9;
	_ =	strace $0x8000004B  }
0xb4: {  	_ =	swait.ge [sflag:s29], $0x1  }
0xb5: {  	[sflag:s29] =	ssyncadd.s32 $0xFFFFFFFF  }
0xb6: {  	_ =	strace $0x9000004B  }
0xb7: {  	_ =	sfence  }
0xb8: {  	s30 =	sld [smem:$0x0];
	_ =	sdelay $0x2  }
0xb9: {  	s31 =	sshll.u32 s1, $0xD;
	s1 =	sshrl.u32 s1, $0x2  }
0xba: {  	s3 =	sand.u32 $0x4000, s31;
	s1 =	sadd.s32 s1, s30  }
0xbb: {  	s0 =	sor.u32 s3, s0;
	s1 =	sshll.u32 s1, $0x11  }
0xbc: {  	s0 =	sor.u32 s1, s0  }
0xbd: {  	s0 =	sadd.s32 $0x8F2B, s0  }
0xbe: {  	[sflag:s0] =	ssyncadd.remote.s32 $0x1  }
0xbf: {  	_ =	sfence.sel $0xFFFF  }
0xc0: {  	[dreg:$0x0] =	wrdreg $0xFFFFFFFF;
	(pc) =	sbr.abs _section_cstart, $3  }
0xc1: {  	[dreg:$0x1] =	wrdreg $0xFFFFFFFF  }
0xc2: {  	_ =	task.clear_ibuf [dreg:s7], $0x2FFFF;
	_ =	strace $0x9FFFFFFF  }
0xc3: {  	(tm) =	ssettm $0x7FFFFFFF  }
tec
execute0_lowered:
.L_overlay_start_1:
0x0: {  	(tag) =	ssettag $0x1  }
0x1: {  	s5 =	rddreg [dreg:$0x0]  }
0x2: {  	s1 =	rddreg [dreg:$0x1]  }
0x3: {  	s0 =	srdreg.scid;
	s2 =	stileid.u32  }
0x4: {  	s3 =	rddreg [dreg:$0x2];
	s4 =	simm.s32 $0x0;
	s8 =	smul.u32 $0x14000, s2  }
0x5: {  	s13 =	simm.s32 $0x80;
	s14 =	simm.s32 $0x100;
	s26 =	smul.u32 $0x50000, s2  }
0x6: {  	s15 =	simm.s32 $0x1;
	s6 =	sand.u32 $0x1, s0;
	s30 =	smul.u32 $0x4F0, s2  }
0x7: {  	s16 =	simm.s32 $0x0;
	s0 =	rddreg [dreg:$0x3];
	s7 =	smul.u32 $0x4F00, s6  }
0x8: {  	[smem:$0x7FF] =	sst s4;
	s31 =	sshll.u32 s2, $0x6;
	s9 =	smul.u32 $0x140000, s6  }
0x9: {  	_ =	strace $0x8000004A;
	s6 =	ssub.s32 $0x2, s6;
	s25 =	sshrl.u32 s8, $0x3  }
0xa: {  	s28 =	sshrl.u32 s6, $0x1;
	s29 =	sshrl.u32 s26, $0x2;
	s10 =	sadd.s32 s7, s5  }
0xb: {  	s8 =	sadd.s32 s8, s9;
	s7 =	sadd.s32 s25, s5;
	s11 =	ssub.s32 s6, s28  }
0xc: {  	s12 =	sadd.s32 s29, s3;
	s6 =	sor.u32 $0x1C02, s31;
	s8 =	sshrl.u32 s8, $0x3  }
0xd: {  	s10 =	sadd.s32 s30, s10;
	s8 =	sadd.s32 s8, s5;
	s5 =	sadd.s32 $0xBA00, s7  }
0xe: {  	s9 =	sadd.s32 $0x1C00, s10;
	s10 =	sadd.s32 $0x83A00, s10;
	s7 =	sadd.s32 $0x33A00, s8  }
0xf: {  	s8 =	smax.u32 s11, $0x1;
	s11 =	sshrl.u32 s12, $0x3;
	s12 =	simm.s32 $0x2  }
.LBB2_1:
0x10: {  	[spmem:s11], [sflag:s6] =	dma.local [hbm:s5], $0x2800  }
0x11: {  	_ =	swait.ge [sflag:s12], $0x2800  }
0x12: {  	[sflag:s12] =	ssyncset.done $0x0  }
0x13: {  	[sflag:s12] =	ssyncadd.s32 $0xFFFFD800  }
0x14: {  	s17 =	sadd.s32 $0x0, s10;
	[bflag:$0x0] =	sbarrier.arrive $0xFFFF  }
0x15: {  	[tilespmem:s4], [sflag:$0x2] =	stream.linear.gather [hbm4b:s17+s4], $0x80, $0x38;
	[tilespmem:$0x18100] =	vst v63  }
0x16: {  	_ =	swait.ge [sflag:s12], $0x80  }
0x17: {  	[sflag:s12] =	ssyncset.done $0x0  }
0x18: {  	s31 =	sadd.s32 $0x0, s9;
	[sflag:s12] =	ssyncadd.s32 $0xFFFFFF80  }
0x19: {  	[tilespmem:s13], [sflag:$0x2] =	stream.linear.gather [hbm4b:s31+s4], $0x80, $0x38;
	[tilespmem:$0x18100] =	vst v63  }
0x1a: {  	_ =	swait.ge [sflag:s12], $0x80  }
0x1b: {  	[sflag:s12] =	ssyncset.done $0x0  }
0x1c: {  	[sflag:s12] =	ssyncadd.s32 $0xFFFFFF80  }
0x1d: {  	[tilespmem:s14], [sflag:$0x1] =	stream.indirect.gather [hbm4b:s1+s13], $0x80, s4, s13, $0xb8;
	[tilespmem:$0x18100] =	vst v63  }
0x1e: {  	_ =	swait.ge [sflag:s15], $0x4000  }
0x1f: {  	[sflag:s15] =	ssyncset.done $0x0  }
0x20: {  	[sflag:s15] =	ssyncadd.s32 $0xFFFFC000  }
0x21: {  	[spmem:s3] =	stream.indirect.scatter.add.f32 [tilespmem:s14], [sflag:$0x2], $0x80, s13, s13, $0xb8;
	[tilespmem:$0x18100] =	vst v63  }
0x22: {  	_ =	swait.ge [sflag:s12], $0x4000  }
0x23: {  	s18 =	simm.s32 $0x20;
	s17 =	simm.s32 $0x10;
	[sflag:s12] =	ssyncset.done $0x0  }
.LBB2_2:
0x24: {  	s19 =	sadd.s32 s17, s10  }
0x25: {  	[sflag:s12] =	ssyncadd.s32 $0xFFFFC000;
	s20 =	smov.u32 s18;
	s21 =	sadd.s32 $0x10, s18  }
0x26: {  	[tilespmem:s4], [sflag:$0x2] =	stream.linear.gather [hbm4b:s19+s4], $0x80, $0x38;
	[tilespmem:$0x18100] =	vst v63  }
0x27: {  	p0 =	sne.s32 s18, $0x4E0;
	_ =	swait.ge [sflag:s12], $0x80  }
0x28: {  	[sflag:s12] =	ssyncset.done $0x0  }
0x29: {  	s18 =	sadd.s32 s17, s9;
	s17 =	smov.u32 s20;
	[sflag:s12] =	ssyncadd.s32 $0xFFFFFF80  }
0x2a: {  	[tilespmem:s13], [sflag:$0x2] =	stream.linear.gather [hbm4b:s18+s4], $0x80, $0x38;
	[tilespmem:$0x18100] =	vst v63  }
0x2b: {  	_ =	swait.ge [sflag:s12], $0x80  }
0x2c: {  	[sflag:s12] =	ssyncset.done $0x0  }
0x2d: {  	[sflag:s12] =	ssyncadd.s32 $0xFFFFFF80  }
0x2e: {  	[tilespmem:s14], [sflag:$0x1] =	stream.indirect.gather [hbm4b:s1+s13], $0x80, s4, s13, $0xb8;
	[tilespmem:$0x18100] =	vst v63  }
0x2f: {  	_ =	swait.ge [sflag:s15], $0x4000  }
.Ltmp0:
0x30: {  	[sflag:s15] =	ssyncset.done $0x0;
	(pc) =	sbr.rel @p0 .LBB2_2-.Ltmp0, $4  }
0x31: {  	[sflag:s15] =	ssyncadd.s32 $0xFFFFC000  }
0x32: {  	[spmem:s3] =	stream.indirect.scatter.add.f32 [tilespmem:s14], [sflag:$0x2], $0x80, s13, s13, $0xb8;
	[tilespmem:$0x18100] =	vst v63  }
0x33: {  	_ =	swait.ge [sflag:s12], $0x4000  }
0x34: {  	s18 =	smov.u32 s21;
	[sflag:s12] =	ssyncset.done $0x0  }
0x35: {  	s18 =	sadd.s32 s17, s10;
	[sflag:s12] =	ssyncadd.s32 $0xFFFFC000  }
0x36: {  	[tilespmem:s4], [sflag:$0x2] =	stream.linear.gather [hbm4b:s18+s4], $0x80, $0x38;
	[tilespmem:$0x18100] =	vst v63  }
0x37: {  	_ =	swait.ge [sflag:s12], $0x80  }
0x38: {  	[sflag:s12] =	ssyncset.done $0x0  }
0x39: {  	s31 =	sadd.s32 s17, s9;
	[sflag:s12] =	ssyncadd.s32 $0xFFFFFF80  }
0x3a: {  	[tilespmem:s13], [sflag:$0x2] =	stream.linear.gather [hbm4b:s31+s4], $0x80, $0x38;
	[tilespmem:$0x18100] =	vst v63  }
0x3b: {  	_ =	swait.ge [sflag:s12], $0x80  }
0x3c: {  	[sflag:s12] =	ssyncset.done $0x0  }
0x3d: {  	[sflag:s12] =	ssyncadd.s32 $0xFFFFFF80  }
0x3e: {  	[tilespmem:s14], [sflag:$0x1] =	stream.indirect.gather [hbm4b:s1+s13], $0x80, s4, s13, $0xb8;
	[tilespmem:$0x18100] =	vst v63  }
0x3f: {  	_ =	swait.ge [sflag:s15], $0x4000  }
0x40: {  	[sflag:s15] =	ssyncset.done $0x0  }
0x41: {  	[sflag:s15] =	ssyncadd.s32 $0xFFFFC000  }
0x42: {  	[spmem:s3] =	stream.indirect.scatter.add.f32 [tilespmem:s14], [sflag:$0x2], $0x80, s13, s13, $0xb8;
	[tilespmem:$0x18100] =	vst v63  }
0x43: {  	_ =	swait.ge [sflag:s12], $0x4000  }
0x44: {  	s16 =	sadd.s32 $0x1, s16;
	[sflag:s12] =	ssyncset.done $0x0  }
0x45: {  	p0 =	sne.s32 s16, s8;
	[sflag:s12] =	ssyncadd.s32 $0xFFFFC000  }
.Ltmp1:
0x46: {  	[bflag:$0x0] =	sbarrier.arrive $0xFFFF;
	(pc) =	sbr.rel @p0 .LBB2_1-.Ltmp1, $4  }
0x47: {  	[hbm:s7], [sflag:s6] =	dma.local [spmem:s11], $0x2800  }
0x48: {  	_ =	swait.ge [sflag:s12], $0x2800  }
0x49: {  	[sflag:s12] =	ssyncset.done $0x0  }
0x4a: {  	[sflag:s12] =	ssyncadd.s32 $0xFFFFD800  }
0x4b: {  	_ =	sfence.sel $0x180000  }
0x4c: {  	[bflag:$0x0] =	sbarrier.arrive $0xFFFF  }
0x4d: {  	p0 =	sne.s32 s2, $0x0;
	_ =	strace $0x9000004A  }
0x4e: {  	s0 =	sadd.s32 @!p0 $0x100000, s0;
	[bflag:$0x2] =	sbarrier.arrive $0xFFFF  }
0x4f: {  	[sflag:s0] =	ssyncadd.tile.s32 @!p0 $0x1;
	_ =	shalt  }
.Lfunc_end2:
_tile_overlayer_lowered:
.L_overlay_start_2:
0x50: {  	(tag) =	ssettag $0x2  }
0x51: {  	s0 =	rddreg [dreg:$0x0];
	s2 =	stileid.u32  }
0x52: {  	s1 =	rddreg [dreg:$0x1];
	p0 =	sne.s32 s2, $0x0  }
0x53: {  	s3 =	rddreg [dreg:$0x2];
	[bflag:$0x3] =	sbarrier.arrive $0xFFFF;
	s2 =	simm.s32 @!p0 $0x1C02  }
0x54: {  	[timem:s3], [sflag:s2] =	dma.local @!p0 [hbm:s0], s1  }
0x55: {  	s0 =	simm.s32 @!p0 $0x2  }
0x56: {  	_ =	swait.ge @!p0 [sflag:s0], s1  }
0x57: {  	s1 =	ssub.s32 @!p0 $0x0, s1;
	[sflag:s0] =	ssyncset.done @!p0 $0x0  }
0x58: {  	[sflag:s0] =	ssyncadd.s32 @!p0 s1  }
0x59: {  	[bflag:$0x3] =	sbarrier.arrive $0xFFFF  }
0x5a: {  	_ =	shalt  }

</sc_bundles>
